<compile_context>
chip_gen: v7x
topology: tpu7x:2x2x1
jax: 0.10.2.dev20260603
libtpu: 0.0.44.dev20260713+nightly
codegen_flags: <defaults>
</compile_context>

<pallas_src>
import jax
import jax.numpy as jnp
from jax.experimental import pallas as pl

_NPTS = 32768
_KT = 2048


def _id_body(x_ref, o_ref):
    o_ref[...] = x_ref[...]


def kernel(x_fft_sliced):
    b, c = x_fft_sliced.shape[:2]
    rows = b * c
    flat = x_fft_sliced.reshape(rows, _NPTS)
    nk = _NPTS // _KT
    out = pl.pallas_call(
        _id_body,
        grid=(nk,),
        in_specs=[pl.BlockSpec((rows, _KT), lambda k: (0, k))],
        out_specs=pl.BlockSpec((rows, _KT), lambda k: (0, k)),
        out_shape=jax.ShapeDtypeStruct((rows, _NPTS), jnp.float32),
    )(flat)
    return out.reshape(x_fft_sliced.shape)

# --- scband reference (transcript-rebuilt; emitter-appended) ---
"""Pipeline reference for scband-harmonic-projector-30605936951525 (READ-ONLY COPY).

The authoritative reference and input builder live on the scoring server;
editing this copy changes nothing except your own understanding.
"""

import jax, jax.numpy as jnp
import numpy as np

N_MODES = (32, 32, 32)
LMAX = 2
RADIAL_BINS = 16
EPS = 1e-06


def _sym_k(n):
    k = n // 2
    pos = np.arange(k + n % 2, dtype=np.float32)
    neg = np.arange(-k, 0, dtype=np.float32)
    return np.concatenate([pos, neg], axis=0)


def _real_sph(coords, lmax, eps):
    x = coords[:, 0]
    y = coords[:, 1]
    z = coords[:, 2]
    r = np.maximum(np.linalg.norm(coords, axis=-1), eps)
    x = x / r
    y = y / r
    z = z / r
    basis = [0.28209479177387814 * np.ones_like(x)]
    if lmax >= 1:
        basis.extend([0.4886025119029199 * y, 0.4886025119029199 * z, 0.4886025119029199 * x])
    if lmax >= 2:
        basis.extend([
            1.0925484305920792 * x * y,
            1.0925484305920792 * y * z,
            0.31539156525252005 * (3.0 * z * z - 1.0),
            1.0925484305920792 * x * z,
            0.5462742152960396 * (x * x - y * y),
        ])
    basis = np.stack(basis, axis=-1)
    zero_mask = np.abs(coords).sum(axis=-1) < eps
    if zero_mask.any() and basis.shape[1] > 1:
        basis = basis.copy()
        basis[zero_mask, 1:] = 0.0
    return basis


def _build_shells():
    kx = _sym_k(N_MODES[0])
    ky = _sym_k(N_MODES[1])
    kz = _sym_k(N_MODES[2])
    KX, KY, KZ = np.meshgrid(kx, ky, kz, indexing='ij')
    coords = np.stack([KX, KY, KZ], axis=-1).reshape(-1, 3)
    radii = np.linalg.norm(coords, axis=-1)
    max_r = max(float(radii.max()), 1.0)
    bin_edges = np.linspace(0.0, max_r + 1e-06, RADIAL_BINS + 1)
    # torch.bucketize(radii, bin_edges[1:-1], right=False) == searchsorted side='left'
    shell_ids = np.searchsorted(bin_edges[1:-1], radii, side='left')
    shells = []
    for sid in range(RADIAL_BINS):
        idx = np.nonzero(shell_ids == sid)[0]
        if idx.size == 0:
            continue
        basis = _real_sph(coords[idx], LMAX, EPS).astype(np.float32)
        pinv = np.linalg.pinv(basis).astype(np.float32)
        shells.append((jnp.asarray(idx.astype(np.int64)), jnp.asarray(basis), jnp.asarray(pinv)))
    return shells


_SHELLS = _build_shells()


def setup_inputs(seed: int = 0) -> dict:
    key = jax.random.key(seed)
    x = jax.random.normal(key, (8, 64, 32, 32, 32), dtype=jnp.float32)
    return {"x_fft_sliced": x}


def reference(x_fft_sliced):
    # Faithful project() -> inverse() round trip of HarmonicProjector:
    # per radial shell: gather spectral entries, project onto real SH basis
    # via precomputed pseudoinverse (segment-wise reduce), then reconstruct
    # and scatter back into the flattened mode cube.
    b, c = x_fft_sliced.shape[:2]
    flat = x_fft_sliced.reshape(b, c, -1)
    out = jnp.zeros_like(flat)
    for idx, basis, pinv in _SHELLS:
        x_shell = jnp.take(flat, idx, axis=-1)
        coeff = jnp.einsum('hp,bcp->bch', pinv, x_shell)
        rec = jnp.einsum('ph,bch->bcp', basis, coeff)
        out = out.at[:, :, idx].set(rec)
    return out.reshape(x_fft_sliced.shape)

if __name__ == "__main__":
    import jax
    _d = setup_inputs()
    print(jax.jit(kernel)(*tuple(_d.values())))

</pallas_src>

<mosaic_0001>
module attributes {stable_mosaic.version = 14 : i64} {
  func.func @_id_body(%arg0: i32, %arg1: memref<512x2048xf32, #tpu.memory_space<vmem>>, %arg2: memref<512x2048xf32, #tpu.memory_space<vmem>>) attributes {dimension_semantics = [#tpu.dimension_semantics<arbitrary>], iteration_bounds = array<i64: 16>, scalar_prefetch = 0 : i64, scratch_operands = 0 : i64, tpu.core_type = #tpu.core_type<tc>, window_params = [{transform_indices = @transform_0, window_bounds = array<i64: 512, 2048>}, {transform_indices = @transform_1, window_bounds = array<i64: 512, 2048>}]} {
    %get3A = arith.constant 0 : index
    %get3A_0 = arith.constant 0 : index
    %get3A_1 = vector.load %arg1[%get3A, %get3A_0] : memref<512x2048xf32, #tpu.memory_space<vmem>>, vector<512x2048xf32>
    %swap3A = arith.constant 0 : index
    %swap3A_2 = arith.constant 0 : index
    %swap3A_3 = vector.load %arg2[%swap3A, %swap3A_2] : memref<512x2048xf32, #tpu.memory_space<vmem>>, vector<512x2048xf32>
    tpu.vector_store %arg2[%swap3A, %swap3A_2], %get3A_1 {strides = array<i32>} : memref<512x2048xf32, #tpu.memory_space<vmem>>, vector<512x2048xf32>,
    return
  }
  func.func @transform_0(%arg0: i32) -> (i32, i32) {
    %c0_i32 = arith.constant 0 : i32
    %c0_i32_0 = arith.constant 0 : i32
    return %c0_i32, %arg0 : i32, i32
  }
  func.func @transform_1(%arg0: i32) -> (i32, i32) {
    %c0_i32 = arith.constant 0 : i32
    %c0_i32_0 = arith.constant 0 : i32
    return %c0_i32, %arg0 : i32, i32
  }
}

</mosaic_0001>

<sc_bundles>
// kernel: sparse-core-data-format-call.cloned.1.call-start
scs
called_computation_lowered:
.L_overlay_start_0:
0x0: {  	s2 =	sld [smem:$0x3FD9]  }
0x1: {  	s3 =	sld [smem:$0x3FFE];
	_ =	sdelay $0x1  }
0x2: {  	s1 =	srdreg.scid  }
0x3: {  	s0 =	sand.u32 $0x1, s1  }
0x4: {  	s18 =	sshll.u32 s0, $0xA;
	s2 =	sadd.s32 s3, s2  }
0x5: {  	s2 =	sadd.s32 s2, s18  }
0x6: {  	[smem:$0x3FC7] =	sst s2  }
0x7: {  	_ = 	snop  }
0x8: {  	s2 =	sld [smem:$0x3FD0];
	(tm) =	ssettm $0x1  }
0x9: {  	s19 =	sld [smem:$0x3FFB];
	_ =	sdelay $0x3  }
0xa: {  	_ =	strace s19  }
0xb: {  	s3 =	sld [smem:$0x3FFC];
	_ =	sdelay $0x3  }
0xc: {  	_ =	strace s3  }
0xd: {  	s3 =	sld [smem:$0x3FFD];
	_ =	sdelay $0x3  }
0xe: {  	_ =	strace s3  }
0xf: {  	_ =	strace $0x8FFFFFFF  }
0x10: {  	s20 =	sld [smem:$0x3FDB];
	_ =	sdelay $0x1  }
0x11: {  	s4 =	simm.s32 $_scs_section_size  }
0x12: {  	s5 =	simm.s32 $_size__tile_overlayer_lowered;
	s6 =	simm.s32 $_tile_overlayer_lowered  }
0x13: {  	s23 =	simm.s32 $0x1BFF;
	s22 =	sshll.u32 s6, $0x1;
	s3 =	sadd.s32 s4, s20  }
0x14: {  	s7 =	simm.s32 $0x0;
	s21 =	sshll.u32 s5, $0x1;
	s5 =	sadd.s32 s22, s3  }
0x15: {  	[timem:s7], [sflag:s23] =	dma.local [hbm:s5], s21  }
0x16: {  	_ =	swait.ge [sflag:s23], s21  }
0x17: {  	s4 =	ssub.s32 $0x0, s21;
	[sflag:s23] =	ssyncset.done $0x0  }
0x18: {  	[sflag:s23] =	ssyncadd.s32 s4;
	_ =	sdelay $0x1  }
0x19: {  	s24 =	simm.s32 $0x1B8B  }
0x1a: {  	_ =	swait.ge [sflag:s24], $0x1  }
0x1b: {  	[sflag:s24] =	ssyncset.done $0x0  }
0x1c: {  	s26 =	simm.s32 $0x1B8E;
	s25 =	sld [smem:$0x3FFE];
	[sflag:s24] =	ssyncadd.s32 $0xFFFFFFFF  }
0x1d: {  	s27 =	simm.s32 $execute0_lowered;
	[smem:$0x3FD2] =	sst s26  }
0x1e: {  	s5 =	sshll.u32 s27, $0x1;
	_ =	strace $0x80000046;
	[dreg:$0x1] =	wrdreg $0xFFFFFFFF  }
0x1f: {  	s28 =	simm.s32 $_size_execute0_lowered;
	s3 =	sadd.s32 s3, s5;
	[dreg:$0x0] =	wrdreg $0x0  }
0x20: {  	s5 =	sshll.u32 s28, $0x1;
	[dreg:$0x2] =	wrdreg s3  }
0x21: {  	[dreg:$0x3] =	wrdreg s5  }
0x22: {  	[dreg:$0x4] =	wrdreg $0xC0  }
0x23: {  	_ =	task [dreg:s7], $0x5FFFF  }
0x24: {  	[dreg:$0x1] =	wrdreg $0xFFFFFFFF  }
0x25: {  	[dreg:$0x0] =	wrdreg $0x60  }
0x26: {  	[dreg:$0x2] =	wrdreg s25  }
0x27: {  	[dreg:$0x3] =	wrdreg s2  }
0x28: {  	[dreg:$0x4] =	wrdreg $0x9  }
0x29: {  	_ =	task.clear_ibuf [dreg:s7], $0x5FFFF;
	_ =	strace $0x90000046  }
0x2a: {  	s29 =	simm.s32 $0x9;
	_ =	strace $0x80000048  }
0x2b: {  	_ =	swait.ge [sflag:s29], $0x1  }
0x2c: {  	[sflag:s29] =	ssyncadd.s32 $0xFFFFFFFF  }
0x2d: {  	_ =	strace $0x90000048  }
0x2e: {  	_ =	sfence  }
0x2f: {  	s30 =	sld [smem:$0x0];
	_ =	sdelay $0x2  }
0x30: {  	s31 =	sshll.u32 s1, $0xD;
	s1 =	sshrl.u32 s1, $0x2  }
0x31: {  	s3 =	sand.u32 $0x4000, s31;
	s1 =	sadd.s32 s1, s30  }
0x32: {  	s0 =	sor.u32 s3, s0;
	s1 =	sshll.u32 s1, $0x11  }
0x33: {  	s0 =	sor.u32 s1, s0  }
0x34: {  	s0 =	sadd.s32 $0x8F2B, s0  }
0x35: {  	[sflag:s0] =	ssyncadd.remote.s32 $0x1  }
0x36: {  	_ =	sfence.sel $0xFFFF  }
0x37: {  	[dreg:$0x0] =	wrdreg $0xFFFFFFFF;
	(pc) =	sbr.abs _section_cstart, $3  }
0x38: {  	[dreg:$0x1] =	wrdreg $0xFFFFFFFF  }
0x39: {  	_ =	task.clear_ibuf [dreg:s7], $0x2FFFF;
	_ =	strace $0x9FFFFFFF  }
0x3a: {  	(tm) =	ssettm $0x7FFFFFFF  }
0x3b: {  	_ =	shalt  }
tec
execute0_lowered:
.L_overlay_start_1:
0x0: {  	(tag) =	ssettag $0x1  }
0x1: {  	s1 =	rddreg [dreg:$0x0]  }
0x2: {  	s2 =	rddreg [dreg:$0x1]  }
0x3: {  	s0 =	rddreg [dreg:$0x2]  }
0x4: {  	s4 =	srdreg.scid;
	_ =	strace $0x80000047;
	s6 =	simm.s32 $0x2  }
0x5: {  	s13 =	simm.s32 $0x0;
	p0 =	por $0x0, $0x0;
	s7 =	simm.s32 $0x80  }
0x6: {  	s14 =	simm.s32 $0x0;
	s15 =	simm.s32 $0x0;
	s16 =	simm.s32 $0x0  }
.Ltmp0:
0x7: {  	s9 =	simm.s32 $0x0;
	s10 =	simm.s32 $0x0;
	(pc) =	sbr.rel .LBB1_1-.Ltmp0, $4  }
0x8: {  	s11 =	simm.s32 $0x0;
	s3 =	sadd.s32 $0x400, s1;
	s4 =	sshll.u32 s4, $0x4  }
0x9: {  	s1 =	stileid.u32;
	s5 =	sand.u32 $0x10, s4;
	s4 =	simm.s32 $0x1  }
0xa: {  	s8 =	simm.s32 $0x0;
	s5 =	sor.u32 s1, s5;
	[sflag:s4] =	ssyncpa.u1 $0x0  }
0xb: {  	[sflag:s6] =	ssyncpa.u1 $0x0;
	s6 =	simm.s32 $0x40;
	s12 =	smov.u32 s5  }
.LBB1_7:
0xc: {  	s17 =	sadd.s32 $0x1, s9  }
0xd: {  	s13 =	sadd.s32 $0x20, s10;
	s18 =	smov.u32 s10;
	p2 =	sgt.s32 s17, $0x7  }
0xe: {  	s18 =	smov.u32 @p2 s13  }
0xf: {  	s19 =	smov.u32 s11;
	s13 =	sadd.s32 $0x8, s11;
	p3 =	sgt.s32 s18, $0x1F  }
0x10: {  	s19 =	smov.u32 @p3 s13  }
0x11: {  	s20 =	smov.u32 s12;
	s13 =	sadd.s32 $0x20, s12;
	p4 =	sgt.s32 s19, $0x1F  }
0x12: {  	p1 =	slt.u32 s8, $0x2;
	s20 =	smov.u32 @p4 s13  }
0x13: {  	s8 =	sadd.s32 $0x1, s8;
	s17 =	simm.s32 @p2 $0x0;
	p2 =	sgt.s32 s20, $0x1F  }
0x14: {  	s21 =	simm.s32 @!p1 $0x2;
	s20 =	smov.u32 @p2 s5;
	p2 =	sne.s32 s8, $0x22  }
.Ltmp1:
0x15: {  	s14 =	smov.u32 s10;
	_ =	swait.ge @!p1 [sflag:s21], $0x4000;
	(pc) =	sbr.rel @!p2 .LBB1_8-.Ltmp1, $4  }
0x16: {  	s15 =	smov.u32 s11;
	s16 =	smov.u32 s12;
	[sflag:s21] =	ssyncset.done @!p1 $0x0  }
0x17: {  	p0 =	por !p0, !p0;
	s18 =	simm.s32 @p3 $0x0;
	[sflag:s21] =	ssyncadd.s32 @!p1 $0xFFFFC000  }
0x18: {  	s10 =	smov.u32 s18;
	s19 =	simm.s32 @p4 $0x0;
	s13 =	smov.u32 s9  }
0x19: {  	s9 =	smov.u32 s17;
	s11 =	smov.u32 s19;
	s12 =	smov.u32 s20  }
.LBB1_1:
0x1a: {  	p1 =	sgt.u32 s8, $0x1F  }
0x1b: {  	s17 =	sxor.u32 @!p1 $0xFFFFFFFF, s8;
	s18 =	sshll.u32 @!p1 s12, $0x11  }
0x1c: {  	s19 =	sshll.u32 @!p1 s11, $0xC;
	s20 =	sshll.u32 @!p1 s10, $0x7;
	s18 =	sadd.s32 @!p1 s3, s18  }
0x1d: {  	s21 =	sshll.u32 @!p1 s9, $0x4;
	s17 =	sshll.u32 @!p1 s17, $0xE;
	s18 =	sadd.s32 @!p1 s19, s18  }
0x1e: {  	s17 =	sand.u32 @!p1 $0x4000, s17;
	s19 =	sand.u32 @!p1 $0x70, s21;
	s18 =	sadd.s32 @!p1 s20, s18  }
0x1f: {  	s20 =	simm.s32 @!p1 $0x400;
	s18 =	sadd.s32 @!p1 s19, s18;
	s19 =	simm.s32 @!p1 $0x40  }
0x20: {  	[tilespmem:s17], [sflag:$0x1] =	stream.strided.gather @!p1 [hbm4b:s18+s19], $0x4000, s20, s19, $0x38;
	[tilespmem:$0x10000] =	vst v63  }
0x21: {  	p1 =	seq.s32 s8, $0x0  }
0x22: {  	p2 =	seq.s32 @!p1 s8, $0x21  }
0x23: {  	p1 =	por p1, p2  }
.Ltmp2:
0x24: {  	_ = 	snop;
	(pc) =	sbr.rel @p1 .LBB1_7-.Ltmp2, $1  }
0x25: {  	_ =	sdelay $0x3  }
0x26: {  	s17 =	simm.s32 $0x1;
	_ =	swait.ge [sflag:s4], $0x4000;
	s20 =	sshll.u32 s8, $0xE  }
0x27: {  	s17 =	simm.s32 @!p0 $0x0;
	[sflag:s4] =	ssyncset.done $0x0;
	s31 =	sand.u32 $0x4000, s20  }
0x28: {  	s20 =	simm.s32 $0x0;
	s17 =	sshll.u32 s17, $0xE;
	[sflag:s4] =	ssyncadd.s32 $0xFFFFC000  }
0x29: {  	s18 =	sor.u32 $0x30, s17;
	s19 =	sor.u32 $0x8020, s17;
	s17 =	sor.u32 $0x8000, s31  }
.LBB1_3:
0x2a: {  	v1 =	vmov s18;
	_ =	sdelay $0x3  }
0x2b: {  	s21 =	simm.s32 $0x0  }
0x2c: {  	v3 =	vld.idx.msk [tilespmem:v1+s21+$0x0 ss:$0x1], $0xffff  }
0x2d: {  	v0 =	vmov s19;
	v4 =	vld.idx.msk [tilespmem:v1+s21+$0xFFFFFFD0 ss:$0x1], $0xffff  }
0x2e: {  	v2 =	vld.idx.msk [tilespmem:v1+s21+$0xFFFFFFE0 ss:$0x1], $0xffff  }
0x2f: {  	s22 =	simm.s32 $0x100;
	v5 =	vld.idx.msk [tilespmem:v1+s21+$0xFFFFFFF0 ss:$0x1], $0xffff  }
.LBB1_4:
0x30: {  	p1 =	sne.s32 s22, $0x1F00  }
.Ltmp3:
0x31: {  	s23 =	sshra.s32 s22, $0x2;
	s22 =	sadd.s32 $0x100, s22;
	(pc) =	sbr.rel @p1 .LBB1_4-.Ltmp3, $4  }
0x32: {  	[tilespmem:v0+s21+$0x10 ss:$0x1] =	vst.idx.msk $0xffff, v3;
	v3 =	vld.idx.msk [tilespmem:v1+s23+$0x0 ss:$0x1], $0xffff  }
0x33: {  	[tilespmem:v0+s21+$0xFFFFFFE0 ss:$0x1] =	vst.idx.msk $0xffff, v4;
	v4 =	vld.idx.msk [tilespmem:v1+s23+$0xFFFFFFD0 ss:$0x1], $0xffff  }
0x34: {  	[tilespmem:v0+s21+$0xFFFFFFF0 ss:$0x1] =	vst.idx.msk $0xffff, v2;
	v2 =	vld.idx.msk [tilespmem:v1+s23+$0xFFFFFFE0 ss:$0x1], $0xffff  }
0x35: {  	[tilespmem:v0+s21+$0x0 ss:$0x1] =	vst.idx.msk $0xffff, v5;
	v5 =	vld.idx.msk [tilespmem:v1+s23+$0xFFFFFFF0 ss:$0x1], $0xffff;
	s21 =	smov.u32 s23  }
0x36: {  	_ = 	snop  }
0x37: {  	s20 =	sadd.s32 $0x1, s20  }
0x38: {  	p1 =	sne.s32 s20, $0x8  }
.Ltmp4:
0x39: {  	_ = 	snop;
	(pc) =	sbr.rel @p1 .LBB1_3-.Ltmp4, $4  }
0x3a: {  	[tilespmem:v0+s21+$0x10 ss:$0x1] =	vst.idx.msk $0xffff, v3  }
0x3b: {  	[tilespmem:v0+s21+$0xFFFFFFE0 ss:$0x1] =	vst.idx.msk $0xffff, v4  }
0x3c: {  	[tilespmem:v0+s21+$0xFFFFFFF0 ss:$0x1] =	vst.idx.msk $0xffff, v2  }
0x3d: {  	s18 =	sadd.s32 $0x800, s18;
	s19 =	sadd.s32 $0x800, s19;
	[tilespmem:v0+s21+$0x0 ss:$0x1] =	vst.idx.msk $0xffff, v5  }
0x3e: {  	s16 =	sshll.u32 s16, $0xE  }
.Ltmp5:
0x3f: {  	s15 =	sshll.u32 s15, $0x9;
	s16 =	sadd.s32 s2, s16;
	(pc) =	sbr.rel .LBB1_7-.Ltmp5, $4  }
0x40: {  	s13 =	sshll.u32 s13, $0x13;
	s14 =	sshll.u32 s14, $0x4;
	s15 =	sadd.s32 s15, s16  }
0x41: {  	s14 =	sand.u32 $0x1F0, s14;
	s13 =	sadd.s32 s13, s15  }
0x42: {  	s13 =	sadd.s32 s14, s13  }
0x43: {  	[hbm4b:s13+s6] =	stream.strided.scatter [tilespmem:s17], [sflag:$0x2], $0x4000, s7, s6, $0x38;
	[tilespmem:$0x10000] =	vst v63  }
.LBB1_8:
0x44: {  	_ =	sfence.sel $0x180000  }
0x45: {  	s2 =	simm.s32 $0x1;
	[bflag:$0x0] =	sbarrier.arrive $0xFFFF  }
0x46: {  	s31 =	simm.s32 $0x2;
	[sflag:s2] =	ssyncpa.u1 $0x1  }
0x47: {  	[sflag:s31] =	ssyncpa.u1 $0x1  }
0x48: {  	p0 =	sne.s32 s1, $0x0;
	_ =	strace $0x90000047  }
0x49: {  	s0 =	sadd.s32 @!p0 $0x100000, s0;
	[bflag:$0x2] =	sbarrier.arrive $0xFFFF  }
0x4a: {  	[sflag:s0] =	ssyncadd.tile.s32 @!p0 $0x1;
	_ =	shalt  }
.Lfunc_end1:
_tile_overlayer_lowered:
.L_overlay_start_2:
0x4b: {  	(tag) =	ssettag $0x2  }
0x4c: {  	s0 =	rddreg [dreg:$0x0];
	s2 =	stileid.u32  }
0x4d: {  	s1 =	rddreg [dreg:$0x1];
	p0 =	sne.s32 s2, $0x0  }
0x4e: {  	s3 =	rddreg [dreg:$0x2];
	[bflag:$0x3] =	sbarrier.arrive $0xFFFF;
	s2 =	simm.s32 @!p0 $0x1C01  }
0x4f: {  	[timem:s3], [sflag:s2] =	dma.local @!p0 [hbm:s0], s1  }
0x50: {  	s0 =	simm.s32 @!p0 $0x1  }
0x51: {  	_ =	swait.ge @!p0 [sflag:s0], s1  }
0x52: {  	s1 =	ssub.s32 @!p0 $0x0, s1;
	[sflag:s0] =	ssyncset.done @!p0 $0x0  }
0x53: {  	[sflag:s0] =	ssyncadd.s32 @!p0 s1  }
0x54: {  	[bflag:$0x3] =	sbarrier.arrive $0xFFFF  }
0x55: {  	_ =	shalt  }

</sc_bundles>
